<compile_context>
chip_gen: v7x
topology: tpu7x:2x2x1
jax: 0.10.2.dev20260603
libtpu: 0.0.44.dev20260713+nightly
codegen_flags: <defaults>
</compile_context>

<pallas_src>
import functools

import jax
import jax.numpy as jnp
from jax import lax
from jax.experimental import pallas as pl
from jax.experimental.pallas import tpu as pltpu
from jax.experimental.pallas import tpu_sc as plsc

C = 4096
NUM_PEDESTALS = 16
PED_FEATS = 4
SP_FEATS = 2
OUT_FEATS = PED_FEATS + SP_FEATS

_info = plsc.get_sparse_core_info()
NS, L = _info.num_subcores, _info.num_lanes
CPW = C // NS
ROWS_PER_VREG = L // PED_FEATS
STEPS = CPW // ROWS_PER_VREG
UNROLL = 8


def _sc_body(idx_hbm, sp_hbm, tbl_hbm, out_hbm, idx_v, tbl_v, sp_v, out_v,
             sem):
    wid = lax.axis_index("s")
    base = wid * CPW

    cp_idx = pltpu.async_copy(idx_hbm.at[pl.ds(base, CPW)], idx_v, sem)
    cp_tbl = pltpu.async_copy(tbl_hbm, tbl_v, sem)
    cp_sp = pltpu.async_copy(sp_hbm.at[:, pl.ds(base, CPW)], sp_v, sem)
    cp_idx.wait()
    cp_tbl.wait()

    lanes = lax.iota(jnp.int32, L)
    sub_row = lanes // PED_FEATS
    col = lanes - sub_row * PED_FEATS

    def tbl_step(t, carry):
        for k in range(UNROLL):
            row = sub_row + (t * UNROLL + k) * ROWS_PER_VREG
            ped = plsc.load_gather(idx_v, [row])
            val = plsc.load_gather(tbl_v, [col, ped])
            plsc.store_scatter(out_v, [col, row], val)
        return carry

    lax.fori_loop(0, STEPS // UNROLL, tbl_step, 0)

    cp_sp.wait()
    sp_row = lanes // SP_FEATS
    sp_col = lanes - sp_row * SP_FEATS
    SP_STEPS = CPW * SP_FEATS // L

    def sp_step(t, carry):
        for k in range(UNROLL):
            row = sp_row + (t * UNROLL + k) * (L // SP_FEATS)
            val = plsc.load_gather(sp_v, [sp_col, row])
            plsc.store_scatter(out_v, [PED_FEATS + sp_col, row], val)
        return carry

    lax.fori_loop(0, SP_STEPS // UNROLL, sp_step, 0)

    pltpu.sync_copy(out_v, out_hbm.at[:, pl.ds(base, CPW)])


_sc_call = functools.partial(
    pl.kernel,
    mesh=plsc.VectorSubcoreMesh(core_axis_name="c", subcore_axis_name="s",
                                num_cores=1),
    out_type=jax.ShapeDtypeStruct((OUT_FEATS, C), jnp.float32),
    scratch_types=[
        pltpu.VMEM((CPW,), jnp.int32),
        pltpu.VMEM((PED_FEATS, NUM_PEDESTALS), jnp.float32),
        pltpu.VMEM((SP_FEATS, CPW), jnp.float32),
        pltpu.VMEM((OUT_FEATS, CPW), jnp.float32),
        pltpu.SemaphoreType.DMA,
    ],
    compiler_params=pltpu.CompilerParams(
        needs_layout_passes=False,
        disable_bounds_checks=True,
        skip_device_barrier=True,
        use_tc_tiling_on_sc=False,
    ),
)(_sc_body)


@jax.jit
def kernel(pedestals, spatial_embeddings, pedestal_table):
    out_t = _sc_call(pedestals.astype(jnp.int32), spatial_embeddings.T,
                     pedestal_table.T)
    return out_t.T

# --- scband reference (transcript-rebuilt; emitter-appended) ---
"""Pipeline reference for scband-channel-embedding-36816459661379 (READ-ONLY COPY).

The authoritative reference and input builder live on the scoring server;
editing this copy changes nothing except your own understanding.
"""

import jax, jax.numpy as jnp
import numpy as np

C = 4096
NUM_PEDESTALS = 16
PEDESTAL_FEATS = 4
SPATIAL_FEATS = 2


def setup_inputs(seed: int = 0) -> dict:
    key = jax.random.key(seed)
    k1, k2, k3 = jax.random.split(key, 3)
    # pedestal id per channel (registered buffer in torch module)
    pedestals = jax.random.randint(k1, (C,), 0, NUM_PEDESTALS, dtype=jnp.int64 if jax.config.jax_enable_x64 else jnp.int32)
    # normalized spatial locations in roughly [-0.5, 0.5] (normalize_space=True path)
    spatial_embeddings = (jax.random.uniform(k2, (C, SPATIAL_FEATS), dtype=jnp.float32) - 0.5)
    # nn.Embedding weight: N(0, 1) init like torch default
    pedestal_table = jax.random.normal(k3, (NUM_PEDESTALS, PEDESTAL_FEATS), dtype=jnp.float32)
    return {
        "pedestals": pedestals,
        "spatial_embeddings": spatial_embeddings,
        "pedestal_table": pedestal_table,
    }


def reference(pedestals, spatial_embeddings, pedestal_table):
    # pedestal_embeddings = self.pedestal_embedder(self.pedestals)
    pedestal_embeddings = jnp.take(pedestal_table, pedestals, axis=0)
    # torch.cat([pedestal_embeddings, self.spatial_embeddings], -1)
    return jnp.concatenate([pedestal_embeddings, spatial_embeddings], axis=-1)

if __name__ == "__main__":
    import jax
    _d = setup_inputs()
    print(jax.jit(kernel)(*tuple(_d.values())))

</pallas_src>

<mosaic_0001>
#map = affine_map<(d0, d1) -> (0)>
#map1 = affine_map<(d0, d1) -> (0, 0)>
module attributes {stable_mosaic.version = 14 : i64} {
  func.func @_sc_body(%arg0: i32, %arg1: i32, %arg2: memref<4096xi32, #tpu.memory_space<hbm>>, %arg3: memref<2x4096xf32, #tpu.memory_space<hbm>>, %arg4: memref<4x16xf32, #tpu.memory_space<hbm>>, %arg5: memref<6x4096xf32, #tpu.memory_space<hbm>>, %arg6: memref<256xi32, #tpu.memory_space<vmem>>, %arg7: memref<4x16xf32, #tpu.memory_space<vmem>>, %arg8: memref<2x256xf32, #tpu.memory_space<vmem>>, %arg9: memref<6x256xf32, #tpu.memory_space<vmem>>, %arg10: memref<!tpu.dma_semaphore, #tpu.memory_space<semaphore_mem>>) attributes {dimension_semantics = [#tpu.dimension_semantics<core_parallel>, #tpu.dimension_semantics<subcore_parallel>], iteration_bounds = array<i64: 1, 16>, scalar_prefetch = 0 : i64, scratch_operands = 5 : i64, tpu.core_type = #tpu.core_type<sc_vector_subcore>, window_params = [{transform_indices = #map}, {transform_indices = #map1}, {transform_indices = #map1}, {transform_indices = #map1}]} {
    %mul3A = arith.constant 256 : i32
    %mul3A_0 = arith.muli %arg1, %mul3A : i32
    %dma_start3A = tpu.memref_slice %arg2[%mul3A_0] : memref<4096xi32, #tpu.memory_space<hbm>> -> memref<256xi32, #tpu.memory_space<hbm>>
    %dma_start3A_1 = tpu.memref_slice %arg2[%mul3A_0] : memref<4096xi32, #tpu.memory_space<hbm>> -> memref<256xi32, #tpu.memory_space<hbm>>
    tpu.enqueue_dma source(%dma_start3A_1 : memref<256xi32, #tpu.memory_space<hbm>>) target(%arg6 : memref<256xi32, #tpu.memory_space<vmem>>) target_semaphore(%arg10 : memref<!tpu.dma_semaphore, #tpu.memory_space<semaphore_mem>>)
    tpu.enqueue_dma source(%arg4 : memref<4x16xf32, #tpu.memory_space<hbm>>) target(%arg7 : memref<4x16xf32, #tpu.memory_space<vmem>>) target_semaphore(%arg10 : memref<!tpu.dma_semaphore, #tpu.memory_space<semaphore_mem>>)
    %dma_start3A_2 = arith.constant 0 : i32
    %dma_start3A_3 = tpu.memref_slice %arg3[%dma_start3A_2, %mul3A_0] : memref<2x4096xf32, #tpu.memory_space<hbm>> -> memref<2x256xf32, #tpu.memory_space<hbm>>
    %dma_start3A_4 = arith.constant 0 : i32
    %dma_start3A_5 = tpu.memref_slice %arg3[%dma_start3A_4, %mul3A_0] : memref<2x4096xf32, #tpu.memory_space<hbm>> -> memref<2x256xf32, #tpu.memory_space<hbm>>
    tpu.enqueue_dma source(%dma_start3A_5 : memref<2x256xf32, #tpu.memory_space<hbm>>) target(%arg8 : memref<2x256xf32, #tpu.memory_space<vmem>>) target_semaphore(%arg10 : memref<!tpu.dma_semaphore, #tpu.memory_space<semaphore_mem>>)
    %dma_wait3A = tpu.memref_slice %arg2[%mul3A_0] : memref<4096xi32, #tpu.memory_space<hbm>> -> memref<256xi32, #tpu.memory_space<hbm>>
    %dma_wait3A_6 = tpu.memref_slice %arg2[%mul3A_0] : memref<4096xi32, #tpu.memory_space<hbm>> -> memref<256xi32, #tpu.memory_space<hbm>>
    tpu.wait_dma2 semaphore(%arg10 : memref<!tpu.dma_semaphore, #tpu.memory_space<semaphore_mem>>) src(%dma_wait3A_6 : memref<256xi32, #tpu.memory_space<hbm>>) dst(%arg6 : memref<256xi32, #tpu.memory_space<vmem>>)
    tpu.wait_dma2 semaphore(%arg10 : memref<!tpu.dma_semaphore, #tpu.memory_space<semaphore_mem>>) src(%arg4 : memref<4x16xf32, #tpu.memory_space<hbm>>) dst(%arg7 : memref<4x16xf32, #tpu.memory_space<vmem>>)
    %iota3A = tpu.iota {dimensions = array<i32: 0>} : vector<16xi32>
    %jit3A = arith.constant 4 : i32
    %div3A = vector.broadcast %jit3A : i32 to vector<16xi32>
    %div3A_7 = arith.divsi %iota3A, %div3A : vector<16xi32>
    %sign3A = arith.constant 0 : i32
    %sign3A_8 = vector.broadcast %sign3A : i32 to vector<16xi32>
    %sign3A_9 = arith.cmpi sgt, %iota3A, %sign3A_8 : vector<16xi32>
    %sign3A_10 = arith.extui %sign3A_9 : vector<16xi1> to vector<16xi32>
    %sign3A_11 = arith.constant 0 : i32
    %sign3A_12 = vector.broadcast %sign3A_11 : i32 to vector<16xi32>
    %sign3A_13 = arith.cmpi slt, %iota3A, %sign3A_12 : vector<16xi32>
    %sign3A_14 = arith.extui %sign3A_13 : vector<16xi1> to vector<16xi32>
    %sign3A_15 = arith.subi %sign3A_10, %sign3A_14 : vector<16xi32>
    %sign3A_16 = arith.constant 0 : i32
    %sign3A_17 = arith.cmpi sgt, %jit3A, %sign3A_16 : i32
    %sign3A_18 = arith.extui %sign3A_17 : i1 to i32
    %sign3A_19 = arith.constant 0 : i32
    %sign3A_20 = arith.cmpi slt, %jit3A, %sign3A_19 : i32
    %sign3A_21 = arith.extui %sign3A_20 : i1 to i32
    %sign3A_22 = arith.subi %sign3A_18, %sign3A_21 : i32
    %ne3A = vector.broadcast %sign3A_22 : i32 to vector<16xi32>
    %ne3A_23 = arith.cmpi ne, %sign3A_15, %ne3A : vector<16xi32>
    %rem3A = vector.broadcast %jit3A : i32 to vector<16xi32>
    %rem3A_24 = arith.remsi %iota3A, %rem3A : vector<16xi32>
    %ne3A_25 = arith.constant 0 : i32
    %ne3A_26 = vector.broadcast %ne3A_25 : i32 to vector<16xi32>
    %ne3A_27 = arith.cmpi ne, %rem3A_24, %ne3A_26 : vector<16xi32>
    %and3A = arith.andi %ne3A_23, %ne3A_27 : vector<16xi1>
    %sub3A = arith.constant 1 : i32
    %sub3A_28 = vector.broadcast %sub3A : i32 to vector<16xi32>
    %sub3A_29 = arith.subi %div3A_7, %sub3A_28 : vector<16xi32>
    %select_n3A = arith.select %and3A, %sub3A_29, %div3A_7 : vector<16xi1>, vector<16xi32>
    %mul3A_30 = arith.constant 4 : i32
    %mul3A_31 = vector.broadcast %mul3A_30 : i32 to vector<16xi32>
    %mul3A_32 = arith.muli %select_n3A, %mul3A_31 : vector<16xi32>
    %sub3A_33 = arith.subi %iota3A, %mul3A_32 : vector<16xi32>
    %scan3A = arith.constant 0 : i32
    %scan3A_34 = arith.constant 0 : i32
    %scan3A_35 = arith.constant 8 : i32
    %scan3A_36 = arith.addi %scan3A_34, %scan3A_35 : i32
    %scan3A_37 = arith.constant 1 : i32
    scf.for %scan3A_84 = %scan3A_34 to %scan3A_36 step %scan3A_37  : i32 {
      %mul3A_85 = arith.constant 8 : i32
      %mul3A_86 = arith.muli %scan3A_84, %mul3A_85 : i32
      %add3A = arith.constant 0 : i32
      %add3A_87 = arith.addi %mul3A_86, %add3A : i32
      %mul3A_88 = arith.constant 4 : i32
      %mul3A_89 = arith.muli %add3A_87, %mul3A_88 : i32
      %add3A_90 = vector.broadcast %mul3A_89 : i32 to vector<16xi32>
      %add3A_91 = arith.addi %select_n3A, %add3A_90 : vector<16xi32>
      %gather3A = tpu.vector_load_idx %arg6[%add3A_91] : memref<256xi32, #tpu.memory_space<vmem>>[vector<16xi32>], vector<16xi32>,
      %gather3A_92 = tpu.vector_load_idx %arg7[%sub3A_33, %gather3A] : memref<4x16xf32, #tpu.memory_space<vmem>>[vector<16xi32>, vector<16xi32>], vector<16xf32>,
      tpu.vector_store_idx %arg9[%sub3A_33, %add3A_91], %gather3A_92 : memref<6x256xf32, #tpu.memory_space<vmem>>[vector<16xi32>, vector<16xi32>], vector<16xf32>,
      %mul3A_93 = arith.constant 8 : i32
      %mul3A_94 = arith.muli %scan3A_84, %mul3A_93 : i32
      %add3A_95 = arith.constant 1 : i32
      %add3A_96 = arith.addi %mul3A_94, %add3A_95 : i32
      %mul3A_97 = arith.constant 4 : i32
      %mul3A_98 = arith.muli %add3A_96, %mul3A_97 : i32
      %add3A_99 = vector.broadcast %mul3A_98 : i32 to vector<16xi32>
      %add3A_100 = arith.addi %select_n3A, %add3A_99 : vector<16xi32>
      %gather3A_101 = tpu.vector_load_idx %arg6[%add3A_100] : memref<256xi32, #tpu.memory_space<vmem>>[vector<16xi32>], vector<16xi32>,
      %gather3A_102 = tpu.vector_load_idx %arg7[%sub3A_33, %gather3A_101] : memref<4x16xf32, #tpu.memory_space<vmem>>[vector<16xi32>, vector<16xi32>], vector<16xf32>,
      tpu.vector_store_idx %arg9[%sub3A_33, %add3A_100], %gather3A_102 : memref<6x256xf32, #tpu.memory_space<vmem>>[vector<16xi32>, vector<16xi32>], vector<16xf32>,
      %mul3A_103 = arith.constant 8 : i32
      %mul3A_104 = arith.muli %scan3A_84, %mul3A_103 : i32
      %add3A_105 = arith.constant 2 : i32
      %add3A_106 = arith.addi %mul3A_104, %add3A_105 : i32
      %mul3A_107 = arith.constant 4 : i32
      %mul3A_108 = arith.muli %add3A_106, %mul3A_107 : i32
      %add3A_109 = vector.broadcast %mul3A_108 : i32 to vector<16xi32>
      %add3A_110 = arith.addi %select_n3A, %add3A_109 : vector<16xi32>
      %gather3A_111 = tpu.vector_load_idx %arg6[%add3A_110] : memref<256xi32, #tpu.memory_space<vmem>>[vector<16xi32>], vector<16xi32>,
      %gather3A_112 = tpu.vector_load_idx %arg7[%sub3A_33, %gather3A_111] : memref<4x16xf32, #tpu.memory_space<vmem>>[vector<16xi32>, vector<16xi32>], vector<16xf32>,
      tpu.vector_store_idx %arg9[%sub3A_33, %add3A_110], %gather3A_112 : memref<6x256xf32, #tpu.memory_space<vmem>>[vector<16xi32>, vector<16xi32>], vector<16xf32>,
      %mul3A_113 = arith.constant 8 : i32
      %mul3A_114 = arith.muli %scan3A_84, %mul3A_113 : i32
      %add3A_115 = arith.constant 3 : i32
      %add3A_116 = arith.addi %mul3A_114, %add3A_115 : i32
      %mul3A_117 = arith.constant 4 : i32
      %mul3A_118 = arith.muli %add3A_116, %mul3A_117 : i32
      %add3A_119 = vector.broadcast %mul3A_118 : i32 to vector<16xi32>
      %add3A_120 = arith.addi %select_n3A, %add3A_119 : vector<16xi32>
      %gather3A_121 = tpu.vector_load_idx %arg6[%add3A_120] : memref<256xi32, #tpu.memory_space<vmem>>[vector<16xi32>], vector<16xi32>,
      %gather3A_122 = tpu.vector_load_idx %arg7[%sub3A_33, %gather3A_121] : memref<4x16xf32, #tpu.memory_space<vmem>>[vector<16xi32>, vector<16xi32>], vector<16xf32>,
      tpu.vector_store_idx %arg9[%sub3A_33, %add3A_120], %gather3A_122 : memref<6x256xf32, #tpu.memory_space<vmem>>[vector<16xi32>, vector<16xi32>], vector<16xf32>,
      %mul3A_123 = arith.constant 8 : i32
      %mul3A_124 = arith.muli %scan3A_84, %mul3A_123 : i32
      %add3A_125 = arith.constant 4 : i32
      %add3A_126 = arith.addi %mul3A_124, %add3A_125 : i32
      %mul3A_127 = arith.constant 4 : i32
      %mul3A_128 = arith.muli %add3A_126, %mul3A_127 : i32
      %add3A_129 = vector.broadcast %mul3A_128 : i32 to vector<16xi32>
      %add3A_130 = arith.addi %select_n3A, %add3A_129 : vector<16xi32>
      %gather3A_131 = tpu.vector_load_idx %arg6[%add3A_130] : memref<256xi32, #tpu.memory_space<vmem>>[vector<16xi32>], vector<16xi32>,
      %gather3A_132 = tpu.vector_load_idx %arg7[%sub3A_33, %gather3A_131] : memref<4x16xf32, #tpu.memory_space<vmem>>[vector<16xi32>, vector<16xi32>], vector<16xf32>,
      tpu.vector_store_idx %arg9[%sub3A_33, %add3A_130], %gather3A_132 : memref<6x256xf32, #tpu.memory_space<vmem>>[vector<16xi32>, vector<16xi32>], vector<16xf32>,
      %mul3A_133 = arith.constant 8 : i32
      %mul3A_134 = arith.muli %scan3A_84, %mul3A_133 : i32
      %add3A_135 = arith.constant 5 : i32
      %add3A_136 = arith.addi %mul3A_134, %add3A_135 : i32
      %mul3A_137 = arith.constant 4 : i32
      %mul3A_138 = arith.muli %add3A_136, %mul3A_137 : i32
      %add3A_139 = vector.broadcast %mul3A_138 : i32 to vector<16xi32>
      %add3A_140 = arith.addi %select_n3A, %add3A_139 : vector<16xi32>
      %gather3A_141 = tpu.vector_load_idx %arg6[%add3A_140] : memref<256xi32, #tpu.memory_space<vmem>>[vector<16xi32>], vector<16xi32>,
      %gather3A_142 = tpu.vector_load_idx %arg7[%sub3A_33, %gather3A_141] : memref<4x16xf32, #tpu.memory_space<vmem>>[vector<16xi32>, vector<16xi32>], vector<16xf32>,
      tpu.vector_store_idx %arg9[%sub3A_33, %add3A_140], %gather3A_142 : memref<6x256xf32, #tpu.memory_space<vmem>>[vector<16xi32>, vector<16xi32>], vector<16xf32>,
      %mul3A_143 = arith.constant 8 : i32
      %mul3A_144 = arith.muli %scan3A_84, %mul3A_143 : i32
      %add3A_145 = arith.constant 6 : i32
      %add3A_146 = arith.addi %mul3A_144, %add3A_145 : i32
      %mul3A_147 = arith.constant 4 : i32
      %mul3A_148 = arith.muli %add3A_146, %mul3A_147 : i32
      %add3A_149 = vector.broadcast %mul3A_148 : i32 to vector<16xi32>
      %add3A_150 = arith.addi %select_n3A, %add3A_149 : vector<16xi32>
      %gather3A_151 = tpu.vector_load_idx %arg6[%add3A_150] : memref<256xi32, #tpu.memory_space<vmem>>[vector<16xi32>], vector<16xi32>,
      %gather3A_152 = tpu.vector_load_idx %arg7[%sub3A_33, %gather3A_151] : memref<4x16xf32, #tpu.memory_space<vmem>>[vector<16xi32>, vector<16xi32>], vector<16xf32>,
      tpu.vector_store_idx %arg9[%sub3A_33, %add3A_150], %gather3A_152 : memref<6x256xf32, #tpu.memory_space<vmem>>[vector<16xi32>, vector<16xi32>], vector<16xf32>,
      %mul3A_153 = arith.constant 8 : i32
      %mul3A_154 = arith.muli %scan3A_84, %mul3A_153 : i32
      %add3A_155 = arith.constant 7 : i32
      %add3A_156 = arith.addi %mul3A_154, %add3A_155 : i32
      %mul3A_157 = arith.constant 4 : i32
      %mul3A_158 = arith.muli %add3A_156, %mul3A_157 : i32
      %add3A_159 = vector.broadcast %mul3A_158 : i32 to vector<16xi32>
      %add3A_160 = arith.addi %select_n3A, %add3A_159 : vector<16xi32>
      %gather3A_161 = tpu.vector_load_idx %arg6[%add3A_160] : memref<256xi32, #tpu.memory_space<vmem>>[vector<16xi32>], vector<16xi32>,
      %gather3A_162 = tpu.vector_load_idx %arg7[%sub3A_33, %gather3A_161] : memref<4x16xf32, #tpu.memory_space<vmem>>[vector<16xi32>, vector<16xi32>], vector<16xf32>,
      tpu.vector_store_idx %arg9[%sub3A_33, %add3A_160], %gather3A_162 : memref<6x256xf32, #tpu.memory_space<vmem>>[vector<16xi32>, vector<16xi32>], vector<16xf32>,
    }
    %scan3A_38 = arith.constant 8 : i32
    %dma_wait3A_39 = arith.constant 0 : i32
    %dma_wait3A_40 = tpu.memref_slice %arg3[%dma_wait3A_39, %mul3A_0] : memref<2x4096xf32, #tpu.memory_space<hbm>> -> memref<2x256xf32, #tpu.memory_space<hbm>>
    %dma_wait3A_41 = arith.constant 0 : i32
    %dma_wait3A_42 = tpu.memref_slice %arg3[%dma_wait3A_41, %mul3A_0] : memref<2x4096xf32, #tpu.memory_space<hbm>> -> memref<2x256xf32, #tpu.memory_space<hbm>>
    tpu.wait_dma2 semaphore(%arg10 : memref<!tpu.dma_semaphore, #tpu.memory_space<semaphore_mem>>) src(%dma_wait3A_42 : memref<2x256xf32, #tpu.memory_space<hbm>>) dst(%arg8 : memref<2x256xf32, #tpu.memory_space<vmem>>)
    %jit3A_43 = arith.constant 2 : i32
    %div3A_44 = vector.broadcast %jit3A_43 : i32 to vector<16xi32>
    %div3A_45 = arith.divsi %iota3A, %div3A_44 : vector<16xi32>
    %sign3A_46 = arith.constant 0 : i32
    %sign3A_47 = vector.broadcast %sign3A_46 : i32 to vector<16xi32>
    %sign3A_48 = arith.cmpi sgt, %iota3A, %sign3A_47 : vector<16xi32>
    %sign3A_49 = arith.extui %sign3A_48 : vector<16xi1> to vector<16xi32>
    %sign3A_50 = arith.constant 0 : i32
    %sign3A_51 = vector.broadcast %sign3A_50 : i32 to vector<16xi32>
    %sign3A_52 = arith.cmpi slt, %iota3A, %sign3A_51 : vector<16xi32>
    %sign3A_53 = arith.extui %sign3A_52 : vector<16xi1> to vector<16xi32>
    %sign3A_54 = arith.subi %sign3A_49, %sign3A_53 : vector<16xi32>
    %sign3A_55 = arith.constant 0 : i32
    %sign3A_56 = arith.cmpi sgt, %jit3A_43, %sign3A_55 : i32
    %sign3A_57 = arith.extui %sign3A_56 : i1 to i32
    %sign3A_58 = arith.constant 0 : i32
    %sign3A_59 = arith.cmpi slt, %jit3A_43, %sign3A_58 : i32
    %sign3A_60 = arith.extui %sign3A_59 : i1 to i32
    %sign3A_61 = arith.subi %sign3A_57, %sign3A_60 : i32
    %ne3A_62 = vector.broadcast %sign3A_61 : i32 to vector<16xi32>
    %ne3A_63 = arith.cmpi ne, %sign3A_54, %ne3A_62 : vector<16xi32>
    %rem3A_64 = vector.broadcast %jit3A_43 : i32 to vector<16xi32>
    %rem3A_65 = arith.remsi %iota3A, %rem3A_64 : vector<16xi32>
    %ne3A_66 = arith.constant 0 : i32
    %ne3A_67 = vector.broadcast %ne3A_66 : i32 to vector<16xi32>
    %ne3A_68 = arith.cmpi ne, %rem3A_65, %ne3A_67 : vector<16xi32>
    %and3A_69 = arith.andi %ne3A_63, %ne3A_68 : vector<16xi1>
    %sub3A_70 = arith.constant 1 : i32
    %sub3A_71 = vector.broadcast %sub3A_70 : i32 to vector<16xi32>
    %sub3A_72 = arith.subi %div3A_45, %sub3A_71 : vector<16xi32>
    %select_n3A_73 = arith.select %and3A_69, %sub3A_72, %div3A_45 : vector<16xi1>, vector<16xi32>
    %mul3A_74 = arith.constant 2 : i32
    %mul3A_75 = vector.broadcast %mul3A_74 : i32 to vector<16xi32>
    %mul3A_76 = arith.muli %select_n3A_73, %mul3A_75 : vector<16xi32>
    %sub3A_77 = arith.subi %iota3A, %mul3A_76 : vector<16xi32>
    %scan3A_78 = arith.constant 0 : i32
    %scan3A_79 = arith.constant 0 : i32
    %scan3A_80 = arith.constant 4 : i32
    %scan3A_81 = arith.addi %scan3A_79, %scan3A_80 : i32
    %scan3A_82 = arith.constant 1 : i32
    scf.for %scan3A_84 = %scan3A_79 to %scan3A_81 step %scan3A_82  : i32 {
      %mul3A_85 = arith.constant 8 : i32
      %mul3A_86 = arith.muli %scan3A_84, %mul3A_85 : i32
      %add3A = arith.constant 0 : i32
      %add3A_87 = arith.addi %mul3A_86, %add3A : i32
      %mul3A_88 = arith.constant 8 : i32
      %mul3A_89 = arith.muli %add3A_87, %mul3A_88 : i32
      %add3A_90 = vector.broadcast %mul3A_89 : i32 to vector<16xi32>
      %add3A_91 = arith.addi %select_n3A_73, %add3A_90 : vector<16xi32>
      %gather3A = tpu.vector_load_idx %arg8[%sub3A_77, %add3A_91] : memref<2x256xf32, #tpu.memory_space<vmem>>[vector<16xi32>, vector<16xi32>], vector<16xf32>,
      %add3A_92 = arith.constant 4 : i32
      %add3A_93 = vector.broadcast %add3A_92 : i32 to vector<16xi32>
      %add3A_94 = arith.addi %add3A_93, %sub3A_77 : vector<16xi32>
      tpu.vector_store_idx %arg9[%add3A_94, %add3A_91], %gather3A : memref<6x256xf32, #tpu.memory_space<vmem>>[vector<16xi32>, vector<16xi32>], vector<16xf32>,
      %mul3A_95 = arith.constant 8 : i32
      %mul3A_96 = arith.muli %scan3A_84, %mul3A_95 : i32
      %add3A_97 = arith.constant 1 : i32
      %add3A_98 = arith.addi %mul3A_96, %add3A_97 : i32
      %mul3A_99 = arith.constant 8 : i32
      %mul3A_100 = arith.muli %add3A_98, %mul3A_99 : i32
      %add3A_101 = vector.broadcast %mul3A_100 : i32 to vector<16xi32>
      %add3A_102 = arith.addi %select_n3A_73, %add3A_101 : vector<16xi32>
      %gather3A_103 = tpu.vector_load_idx %arg8[%sub3A_77, %add3A_102] : memref<2x256xf32, #tpu.memory_space<vmem>>[vector<16xi32>, vector<16xi32>], vector<16xf32>,
      %add3A_104 = arith.constant 4 : i32
      %add3A_105 = vector.broadcast %add3A_104 : i32 to vector<16xi32>
      %add3A_106 = arith.addi %add3A_105, %sub3A_77 : vector<16xi32>
      tpu.vector_store_idx %arg9[%add3A_106, %add3A_102], %gather3A_103 : memref<6x256xf32, #tpu.memory_space<vmem>>[vector<16xi32>, vector<16xi32>], vector<16xf32>,
      %mul3A_107 = arith.constant 8 : i32
      %mul3A_108 = arith.muli %scan3A_84, %mul3A_107 : i32
      %add3A_109 = arith.constant 2 : i32
      %add3A_110 = arith.addi %mul3A_108, %add3A_109 : i32
      %mul3A_111 = arith.constant 8 : i32
      %mul3A_112 = arith.muli %add3A_110, %mul3A_111 : i32
      %add3A_113 = vector.broadcast %mul3A_112 : i32 to vector<16xi32>
      %add3A_114 = arith.addi %select_n3A_73, %add3A_113 : vector<16xi32>
      %gather3A_115 = tpu.vector_load_idx %arg8[%sub3A_77, %add3A_114] : memref<2x256xf32, #tpu.memory_space<vmem>>[vector<16xi32>, vector<16xi32>], vector<16xf32>,
      %add3A_116 = arith.constant 4 : i32
      %add3A_117 = vector.broadcast %add3A_116 : i32 to vector<16xi32>
      %add3A_118 = arith.addi %add3A_117, %sub3A_77 : vector<16xi32>
      tpu.vector_store_idx %arg9[%add3A_118, %add3A_114], %gather3A_115 : memref<6x256xf32, #tpu.memory_space<vmem>>[vector<16xi32>, vector<16xi32>], vector<16xf32>,
      %mul3A_119 = arith.constant 8 : i32
      %mul3A_120 = arith.muli %scan3A_84, %mul3A_119 : i32
      %add3A_121 = arith.constant 3 : i32
      %add3A_122 = arith.addi %mul3A_120, %add3A_121 : i32
      %mul3A_123 = arith.constant 8 : i32
      %mul3A_124 = arith.muli %add3A_122, %mul3A_123 : i32
      %add3A_125 = vector.broadcast %mul3A_124 : i32 to vector<16xi32>
      %add3A_126 = arith.addi %select_n3A_73, %add3A_125 : vector<16xi32>
      %gather3A_127 = tpu.vector_load_idx %arg8[%sub3A_77, %add3A_126] : memref<2x256xf32, #tpu.memory_space<vmem>>[vector<16xi32>, vector<16xi32>], vector<16xf32>,
      %add3A_128 = arith.constant 4 : i32
      %add3A_129 = vector.broadcast %add3A_128 : i32 to vector<16xi32>
      %add3A_130 = arith.addi %add3A_129, %sub3A_77 : vector<16xi32>
      tpu.vector_store_idx %arg9[%add3A_130, %add3A_126], %gather3A_127 : memref<6x256xf32, #tpu.memory_space<vmem>>[vector<16xi32>, vector<16xi32>], vector<16xf32>,
      %mul3A_131 = arith.constant 8 : i32
      %mul3A_132 = arith.muli %scan3A_84, %mul3A_131 : i32
      %add3A_133 = arith.constant 4 : i32
      %add3A_134 = arith.addi %mul3A_132, %add3A_133 : i32
      %mul3A_135 = arith.constant 8 : i32
      %mul3A_136 = arith.muli %add3A_134, %mul3A_135 : i32
      %add3A_137 = vector.broadcast %mul3A_136 : i32 to vector<16xi32>
      %add3A_138 = arith.addi %select_n3A_73, %add3A_137 : vector<16xi32>
      %gather3A_139 = tpu.vector_load_idx %arg8[%sub3A_77, %add3A_138] : memref<2x256xf32, #tpu.memory_space<vmem>>[vector<16xi32>, vector<16xi32>], vector<16xf32>,
      %add3A_140 = arith.constant 4 : i32
      %add3A_141 = vector.broadcast %add3A_140 : i32 to vector<16xi32>
      %add3A_142 = arith.addi %add3A_141, %sub3A_77 : vector<16xi32>
      tpu.vector_store_idx %arg9[%add3A_142, %add3A_138], %gather3A_139 : memref<6x256xf32, #tpu.memory_space<vmem>>[vector<16xi32>, vector<16xi32>], vector<16xf32>,
      %mul3A_143 = arith.constant 8 : i32
      %mul3A_144 = arith.muli %scan3A_84, %mul3A_143 : i32
      %add3A_145 = arith.constant 5 : i32
      %add3A_146 = arith.addi %mul3A_144, %add3A_145 : i32
      %mul3A_147 = arith.constant 8 : i32
      %mul3A_148 = arith.muli %add3A_146, %mul3A_147 : i32
      %add3A_149 = vector.broadcast %mul3A_148 : i32 to vector<16xi32>
      %add3A_150 = arith.addi %select_n3A_73, %add3A_149 : vector<16xi32>
      %gather3A_151 = tpu.vector_load_idx %arg8[%sub3A_77, %add3A_150] : memref<2x256xf32, #tpu.memory_space<vmem>>[vector<16xi32>, vector<16xi32>], vector<16xf32>,
      %add3A_152 = arith.constant 4 : i32
      %add3A_153 = vector.broadcast %add3A_152 : i32 to vector<16xi32>
      %add3A_154 = arith.addi %add3A_153, %sub3A_77 : vector<16xi32>
      tpu.vector_store_idx %arg9[%add3A_154, %add3A_150], %gather3A_151 : memref<6x256xf32, #tpu.memory_space<vmem>>[vector<16xi32>, vector<16xi32>], vector<16xf32>,
      %mul3A_155 = arith.constant 8 : i32
      %mul3A_156 = arith.muli %scan3A_84, %mul3A_155 : i32
      %add3A_157 = arith.constant 6 : i32
      %add3A_158 = arith.addi %mul3A_156, %add3A_157 : i32
      %mul3A_159 = arith.constant 8 : i32
      %mul3A_160 = arith.muli %add3A_158, %mul3A_159 : i32
      %add3A_161 = vector.broadcast %mul3A_160 : i32 to vector<16xi32>
      %add3A_162 = arith.addi %select_n3A_73, %add3A_161 : vector<16xi32>
      %gather3A_163 = tpu.vector_load_idx %arg8[%sub3A_77, %add3A_162] : memref<2x256xf32, #tpu.memory_space<vmem>>[vector<16xi32>, vector<16xi32>], vector<16xf32>,
      %add3A_164 = arith.constant 4 : i32
      %add3A_165 = vector.broadcast %add3A_164 : i32 to vector<16xi32>
      %add3A_166 = arith.addi %add3A_165, %sub3A_77 : vector<16xi32>
      tpu.vector_store_idx %arg9[%add3A_166, %add3A_162], %gather3A_163 : memref<6x256xf32, #tpu.memory_space<vmem>>[vector<16xi32>, vector<16xi32>], vector<16xf32>,
      %mul3A_167 = arith.constant 8 : i32
      %mul3A_168 = arith.muli %scan3A_84, %mul3A_167 : i32
      %add3A_169 = arith.constant 7 : i32
      %add3A_170 = arith.addi %mul3A_168, %add3A_169 : i32
      %mul3A_171 = arith.constant 8 : i32
      %mul3A_172 = arith.muli %add3A_170, %mul3A_171 : i32
      %add3A_173 = vector.broadcast %mul3A_172 : i32 to vector<16xi32>
      %add3A_174 = arith.addi %select_n3A_73, %add3A_173 : vector<16xi32>
      %gather3A_175 = tpu.vector_load_idx %arg8[%sub3A_77, %add3A_174] : memref<2x256xf32, #tpu.memory_space<vmem>>[vector<16xi32>, vector<16xi32>], vector<16xf32>,
      %add3A_176 = arith.constant 4 : i32
      %add3A_177 = vector.broadcast %add3A_176 : i32 to vector<16xi32>
      %add3A_178 = arith.addi %add3A_177, %sub3A_77 : vector<16xi32>
      tpu.vector_store_idx %arg9[%add3A_178, %add3A_174], %gather3A_175 : memref<6x256xf32, #tpu.memory_space<vmem>>[vector<16xi32>, vector<16xi32>], vector<16xf32>,
    }
    %scan3A_83 = arith.constant 4 : i32
    "tpu.region"() ({
      %run_scoped3A = tpu.sem_alloc : memref<!tpu.dma_semaphore, #tpu.memory_space<semaphore_mem>>
      %dma_start3A_84 = arith.constant 0 : i32
      %dma_start3A_85 = tpu.memref_slice %arg5[%dma_start3A_84, %mul3A_0] : memref<6x4096xf32, #tpu.memory_space<hbm>> -> memref<6x256xf32, #tpu.memory_space<hbm>>
      %dma_start3A_86 = arith.constant 0 : i32
      %dma_start3A_87 = tpu.memref_slice %arg5[%dma_start3A_86, %mul3A_0] : memref<6x4096xf32, #tpu.memory_space<hbm>> -> memref<6x256xf32, #tpu.memory_space<hbm>>
      tpu.enqueue_dma source(%arg9 : memref<6x256xf32, #tpu.memory_space<vmem>>) target(%dma_start3A_87 : memref<6x256xf32, #tpu.memory_space<hbm>>) target_semaphore(%run_scoped3A : memref<!tpu.dma_semaphore, #tpu.memory_space<semaphore_mem>>)
      %dma_wait3A_88 = arith.constant 0 : i32
      %dma_wait3A_89 = tpu.memref_slice %arg5[%dma_wait3A_88, %mul3A_0] : memref<6x4096xf32, #tpu.memory_space<hbm>> -> memref<6x256xf32, #tpu.memory_space<hbm>>
      %dma_wait3A_90 = arith.constant 0 : i32
      %dma_wait3A_91 = tpu.memref_slice %arg5[%dma_wait3A_90, %mul3A_0] : memref<6x4096xf32, #tpu.memory_space<hbm>> -> memref<6x256xf32, #tpu.memory_space<hbm>>
      tpu.wait_dma2 semaphore(%run_scoped3A : memref<!tpu.dma_semaphore, #tpu.memory_space<semaphore_mem>>) src(%arg9 : memref<6x256xf32, #tpu.memory_space<vmem>>) dst(%dma_wait3A_91 : memref<6x256xf32, #tpu.memory_space<hbm>>)
      tpu.yield
    }) : () -> ()
    return
  }
}

</mosaic_0001>

<sc_bundles>
// kernel: kernel.3.cloned.1.call-start
scs
__scs_entry_jumppad:
0x0: {  	(pc) =	sbr.rel $0x88, $3  }
0x1: {  	(tag) =	ssettag $0x0;
	lr =	simm.s32 $0x1  }
0x2: {  	[smem:$0x3F9E] =	sst lr;
	_ =	strace $0xD0000000  }
0x3: {  	_ = 	snop  }
0x4: {  	_ = 	snop  }
0x5: {  	_ = 	snop  }
0x6: {  	_ = 	snop  }
0x7: {  	_ = 	snop  }
__scs_overlays_trampoline_lowered:
0x8: {  	[smem:$0x3FAD] =	sst s0  }
0x9: {  	[smem:$0x3FAE] =	sst s1  }
0xa: {  	[smem:$0x3FAF] =	sst s2  }
0xb: {  	[smem:$0x3FB0] =	sst s3  }
0xc: {  	[smem:$0x3FB1] =	sst s4  }
0xd: {  	[smem:$0x3FB2] =	sst s5  }
0xe: {  	[smem:$0x3FB3] =	sst s6  }
0xf: {  	[smem:$0x3FB4] =	sst s7  }
0x10: {  	[smem:$0x3FB5] =	sst s8  }
0x11: {  	[smem:$0x3FB6] =	sst s9;
	s0 =	simm.s32 @!p0 $0x0  }
0x12: {  	s1 =	sld [smem:$0x3F9C];
	s0 =	simm.s32 @p0 $0x1  }
0x13: {  	[smem:$0x3FB7] =	sst s0;
	s0 =	simm.s32 @!p1 $0x0  }
0x14: {  	s2 =	sld [smem:$0x3F9B];
	s0 =	simm.s32 @p1 $0x1  }
0x15: {  	[smem:$0x3FB8] =	sst s0;
	s0 =	simm.s32 @!p2 $0x0  }
0x16: {  	s3 =	sld [smem:$0x3FDB];
	s0 =	simm.s32 @p2 $0x1  }
0x17: {  	s4 =	simm.s32 $0x1BF5;
	[smem:$0x3FBA] =	sst s0  }
0x18: {  	s0 =	sld [smem:$0x3F9D];
	_ =	swait.ge [sflag:s4], $0x0  }
0x19: {  	s7 =	sld [smem:$0x3F9E]  }
0x1a: {  	s8 =	sadd.s32 $0xFFFFE003, lr  }
0x1b: {  	s9 =	sadd.s32 $0xFFFFFEF7, lr;
	s5 =	simm.s32 $0xFFFFFFFF;
	p2 =	slt.u32 s8, $0xFFFFF086  }
0x1c: {  	p1 =	slt.u32 s9, $0xF7A;
	s5 =	simm.s32 @!p2 $0x0  }
0x1d: {  	s5 =	simm.s32 @p1 $0x1;
	p0 =	seq.s32 s7, s2  }
0x1e: {  	s7 =	smul.u32 @!p0 $0xF7A, s2;
	p2 =	seq.s32 @!p0 s5, $0x0  }
0x1f: {  	s9 =	smul.u32 $0xF7A, s1;
	s8 =	simm.s32 @!p0 $0x1BF5;
	p2 =	por !p2, p0  }
0x20: {  	[sflag:s8] =	ssyncset.s32 @!p0 $0xFFFFF086;
	s6 =	sadd.s32 @!p0 s3, s7;
	s7 =	simm.s32 @!p0 $0x108  }
0x21: {  	s3 =	sadd.s32 s3, s9;
	s6 =	sadd.s32 @!p0 $0x88, s6;
	s7 =	simm.s32 @p2 $0x1082  }
0x22: {  	[simem:s7], [sflag:s8] =	dma.local @!p0 [hbm:s6], $0xF7A  }
0x23: {  	s9 =	sor.u32 $0xD0000000, s2;
	s6 =	simm.s32 $0x108;
	_ =	swait.ge @!p0 [sflag:s8], $0x0  }
0x24: {  	s3 =	sadd.s32 $0x88, s3;
	s6 =	simm.s32 @!p1 $0x1082;
	[sflag:s4] =	ssyncset.s32 $0xFFFFF086  }
0x25: {  	[simem:s6], [sflag:s4] =	dma.local [hbm:s3], $0xF7A  }
0x26: {  	[smem:$0x3F9E] =	sst s1;
	(tag) =	ssettag s2;
	_ =	strace s9  }
0x27: {  	s1 =	sld [smem:$0x3FAE]  }
0x28: {  	s2 =	sld [smem:$0x3FAF]  }
0x29: {  	s4 =	sld [smem:$0x3FB1]  }
0x2a: {  	p0 =	seq.s32 s5, $0x0;
	s5 =	sld [smem:$0x3FB2]  }
0x2b: {  	s6 =	sld [smem:$0x3FB3]  }
0x2c: {  	s7 =	sld [smem:$0x3FB4]  }
0x2d: {  	s3 =	simm.s32 $0x108;
	s8 =	sld [smem:$0x3FB5]  }
0x2e: {  	s3 =	simm.s32 @!p0 $0x1082;
	s9 =	sld [smem:$0x3FB6]  }
0x2f: {  	lr =	sadd.s32 s0, s3;
	s0 =	sld [smem:$0x3FAD]  }
0x30: {  	s3 =	sld [smem:$0x3FB0]  }
0x31: {  	[smem:$0x3FB9] =	sst s10  }
0x32: {  	s10 =	sld [smem:$0x3FB7];
	_ =	sdelay $0x3  }
0x33: {  	p0 =	seq.s32 s10, $0x1;
	s10 =	sld [smem:$0x3FB9];
	_ =	sdelay $0x3  }
0x34: {  	[smem:$0x3FB9] =	sst s10  }
0x35: {  	s10 =	sld [smem:$0x3FB8];
	_ =	sdelay $0x3  }
0x36: {  	p1 =	seq.s32 s10, $0x1;
	s10 =	sld [smem:$0x3FB9];
	_ =	sdelay $0x3  }
0x37: {  	[smem:$0x3FB9] =	sst s10  }
0x38: {  	s10 =	sld [smem:$0x3FBA]  }
0x39: {  	_ = 	snop;
	(pc) =	sbr.ind lr, $3  }
0x3a: {  	_ = 	snop  }
0x3b: {  	_ = 	snop  }
0x3c: {  	p2 =	seq.s32 s10, $0x1;
	s10 =	sld [smem:$0x3FB9]  }
0x3d: {  	_ =	shalt  }
0x3e: {  	_ =	shalt  }
0x3f: {  	_ =	shalt  }
0x40: {  	_ =	shalt  }
0x41: {  	_ =	shalt  }
0x42: {  	_ =	shalt  }
0x43: {  	_ =	shalt  }
0x44: {  	_ =	shalt  }
0x45: {  	_ =	shalt  }
0x46: {  	_ =	shalt  }
0x47: {  	_ =	shalt  }
0x48: {  	_ =	shalt  }
0x49: {  	_ =	shalt  }
0x4a: {  	_ =	shalt  }
0x4b: {  	_ =	shalt  }
0x4c: {  	_ =	shalt  }
0x4d: {  	_ =	shalt  }
0x4e: {  	_ =	shalt  }
0x4f: {  	_ =	shalt  }
0x50: {  	_ =	shalt  }
0x51: {  	_ =	shalt  }
0x52: {  	_ =	shalt  }
0x53: {  	_ =	shalt  }
0x54: {  	_ =	shalt  }
0x55: {  	_ =	shalt  }
0x56: {  	_ =	shalt  }
0x57: {  	_ =	shalt  }
0x58: {  	_ =	shalt  }
0x59: {  	_ =	shalt  }
0x5a: {  	_ =	shalt  }
0x5b: {  	_ =	shalt  }
0x5c: {  	_ =	shalt  }
0x5d: {  	_ =	shalt  }
0x5e: {  	_ =	shalt  }
0x5f: {  	_ =	shalt  }
0x60: {  	_ =	shalt  }
0x61: {  	_ =	shalt  }
0x62: {  	_ =	shalt  }
0x63: {  	_ =	shalt  }
0x64: {  	_ =	shalt  }
0x65: {  	_ =	shalt  }
0x66: {  	_ =	shalt  }
0x67: {  	_ =	shalt  }
0x68: {  	_ =	shalt  }
0x69: {  	_ =	shalt  }
0x6a: {  	_ =	shalt  }
0x6b: {  	_ =	shalt  }
0x6c: {  	_ =	shalt  }
0x6d: {  	_ =	shalt  }
0x6e: {  	_ =	shalt  }
0x6f: {  	_ =	shalt  }
0x70: {  	_ =	shalt  }
0x71: {  	_ =	shalt  }
0x72: {  	_ =	shalt  }
0x73: {  	_ =	shalt  }
0x74: {  	_ =	shalt  }
0x75: {  	_ =	shalt  }
0x76: {  	_ =	shalt  }
0x77: {  	_ =	shalt  }
0x78: {  	_ =	shalt  }
0x79: {  	_ =	shalt  }
0x7a: {  	_ =	shalt  }
0x7b: {  	_ =	shalt  }
0x7c: {  	_ =	shalt  }
0x7d: {  	_ =	shalt  }
0x7e: {  	_ =	shalt  }
0x7f: {  	_ =	shalt  }
0x80: {  	_ =	shalt  }
0x81: {  	_ =	shalt  }
0x82: {  	_ =	shalt  }
0x83: {  	_ =	shalt  }
0x84: {  	_ =	shalt  }
0x85: {  	_ =	shalt  }
0x86: {  	_ =	shalt  }
0x87: {  	_ =	shalt  }
.Lfunc_end0:
.L_simem_size_0:
called_computation_lowered:
.L_overlay_start_0:
0x88: {  	s0 =	sld [smem:$0x3FD9]  }
0x89: {  	s1 =	sld [smem:$0x3FFE];
	_ =	sdelay $0x3  }
0x8a: {  	s0 =	sadd.s32 s1, s0  }
0x8b: {  	[smem:$0x3FC5] =	sst s0  }
0x8c: {  	_ = 	snop  }
0x8d: {  	s0 =	sld [smem:$0x3FC9]  }
0x8e: {  	s16 =	sld [smem:$0x3FD0];
	(tm) =	ssettm $0x1  }
0x8f: {  	s2 =	sld [smem:$0x3FFB];
	_ =	sdelay $0x3  }
0x90: {  	_ =	strace s2  }
0x91: {  	s2 =	sld [smem:$0x3FFC];
	_ =	sdelay $0x3  }
0x92: {  	_ =	strace s2  }
0x93: {  	s2 =	sld [smem:$0x3FFD];
	_ =	sdelay $0x3  }
0x94: {  	_ =	strace s2  }
0x95: {  	_ =	strace $0x8FFFFFFF  }
0x96: {  	s17 =	sld [smem:$0x3FDB];
	_ =	sdelay $0x1  }
0x97: {  	s3 =	simm.s32 $_scs_section_size  }
0x98: {  	s4 =	simm.s32 $_size__tile_overlayer_lowered;
	s5 =	simm.s32 $_tile_overlayer_lowered  }
0x99: {  	s20 =	simm.s32 $0x1BFF;
	s19 =	sshll.u32 s5, $0x1;
	s2 =	sadd.s32 s3, s17  }
0x9a: {  	s6 =	simm.s32 $0x0;
	s18 =	sshll.u32 s4, $0x1;
	s4 =	sadd.s32 s19, s2  }
0x9b: {  	[timem:s6], [sflag:s20] =	dma.local [hbm:s4], s18  }
0x9c: {  	_ =	swait.ge [sflag:s20], s18  }
0x9d: {  	s3 =	ssub.s32 $0x0, s18;
	[sflag:s20] =	ssyncset.done $0x0  }
0x9e: {  	[sflag:s20] =	ssyncadd.s32 s3;
	_ =	sdelay $0x1  }
0x9f: {  	s21 =	simm.s32 $0x1B8B  }
0xa0: {  	_ =	swait.ge [sflag:s21], $0x1  }
0xa1: {  	[sflag:s21] =	ssyncset.done $0x0  }
0xa2: {  	s23 =	simm.s32 $0x1B8E;
	s22 =	sld [smem:$0x3FFE];
	[sflag:s21] =	ssyncadd.s32 $0xFFFFFFFF  }
0xa3: {  	s24 =	simm.s32 $execute0_lowered;
	[smem:$0x3FD2] =	sst s23  }
0xa4: {  	s4 =	sshll.u32 s24, $0x1;
	_ =	strace $0x80000046;
	[dreg:$0x1] =	wrdreg $0xFFFFFFFF  }
0xa5: {  	s25 =	simm.s32 $_size_execute0_lowered;
	s2 =	sadd.s32 s2, s4;
	[dreg:$0x0] =	wrdreg $0x0  }
0xa6: {  	s4 =	sshll.u32 s25, $0x1;
	[dreg:$0x2] =	wrdreg s2  }
0xa7: {  	[dreg:$0x3] =	wrdreg s4  }
0xa8: {  	[dreg:$0x4] =	wrdreg $0xC0  }
0xa9: {  	_ =	task [dreg:s6], $0x5FFFF  }
0xaa: {  	[dreg:$0x1] =	wrdreg $0xFFFFFFFF  }
0xab: {  	[dreg:$0x0] =	wrdreg $0x60  }
0xac: {  	[dreg:$0x2] =	wrdreg s0  }
0xad: {  	[dreg:$0x3] =	wrdreg s16  }
0xae: {  	[dreg:$0x4] =	wrdreg s22  }
0xaf: {  	[dreg:$0x5] =	wrdreg $0x9  }
0xb0: {  	_ =	task.clear_ibuf [dreg:s6], $0x6FFFF;
	_ =	strace $0x90000046  }
0xb1: {  	s26 =	simm.s32 $0x9;
	_ =	strace $0x80000048  }
0xb2: {  	_ =	swait.ge [sflag:s26], $0x1  }
0xb3: {  	[sflag:s26] =	ssyncadd.s32 $0xFFFFFFFF  }
0xb4: {  	_ =	strace $0x90000048  }
0xb5: {  	_ =	sfence  }
0xb6: {  	s28 =	sld [smem:$0x0];
	_ =	sdelay $0x1  }
0xb7: {  	s29 =	srdreg.scid  }
0xb8: {  	s30 =	sshll.u32 s29, $0xD;
	s31 =	sshrl.u32 s29, $0x2  }
0xb9: {  	s1 =	sand.u32 $0x1, s29;
	s2 =	sand.u32 $0x4000, s30;
	s0 =	sadd.s32 s31, s28  }
0xba: {  	s1 =	sor.u32 s2, s1;
	s0 =	sshll.u32 s0, $0x11  }
0xbb: {  	s0 =	sor.u32 s0, s1  }
0xbc: {  	s0 =	sadd.s32 $0x8F2B, s0  }
0xbd: {  	[sflag:s0] =	ssyncadd.remote.s32 $0x1  }
0xbe: {  	_ =	sfence.sel $0xFFFF  }
0xbf: {  	[dreg:$0x0] =	wrdreg $0xFFFFFFFF;
	(pc) =	sbr.abs _section_cstart, $3  }
0xc0: {  	[dreg:$0x1] =	wrdreg $0xFFFFFFFF  }
0xc1: {  	_ =	task.clear_ibuf [dreg:s6], $0x2FFFF;
	_ =	strace $0x9FFFFFFF  }
0xc2: {  	(tm) =	ssettm $0x7FFFFFFF  }
0xc3: {  	_ =	shalt  }
tec
execute0_lowered:
.L_overlay_start_1:
0x0: {  	(tag) =	ssettag $0x1  }
0x1: {  	vm0 =	vcmask $0x300;
	v0 =	vimm.s32 $0x0;
	v2 =	vlaneseq.u32  }
0x2: {  	v3 =	vimm.s32 $0x303;
	v4 =	vimm.s32 $0x307;
	vm1 =	vcmask $0x704  }
0x3: {  	s5 =	rddreg [dreg:$0x0];
	vm2 =	vcmask $0xB08;
	vm3 =	vcmask $0xF0C;
	vm4 =	vcmask $0x1310  }
0x4: {  	s6 =	rddreg [dreg:$0x1];
	vm5 =	vcmask $0x1714;
	v3 =	vsel vm0, $0x0, v3;
	v4 =	vsel vm0, $0x4, v4  }
0x5: {  	s3 =	rddreg [dreg:$0x2];
	s4 =	simm.s32 $0x0;
	s1 =	stileid.u32;
	vm6 =	vcmask $0x1B18;
	v3 =	vsel vm1, $0x100, v3;
	v4 =	vsel vm1, $0x104, v4  }
0x6: {  	vm7 =	vcmask $0x1F1C;
	[smem:$0x7FF] =	sst s4;
	s2 =	sshll.u32 s1, $0x5;
	v3 =	vsel vm2, $0x200, v3;
	v4 =	vsel vm2, $0x204, v4  }
0x7: {  	s0 =	rddreg [dreg:$0x3];
	vm8 =	vcmask $0x2320;
	_ =	strace $0x80000047;
	s5 =	sadd.s32 s5, s2;
	v3 =	vsel vm3, $0x300, v3;
	v4 =	vsel vm3, $0x304, v4  }
0x8: {  	vm9 =	vcmask $0x2724;
	[tilespmem:s4], [sflag:$0x1] =	stream.linear.gather [hbm4b:s5+s4], $0x100, $0x38;
	v3 =	vsel vm4, $0x1, v3;
	v4 =	vsel vm4, $0x5, v4;
	[tilespmem:$0x940] =	vst v63  }
0x9: {  	s30 =	simm.s32 $0x1000;
	vm10 =	vcmask $0x2B28;
	s7 =	sadd.s32 $0x600, s3;
	s5 =	simm.s32 $0x100;
	v3 =	vsel vm5, $0x101, v3;
	v4 =	vsel vm5, $0x105, v4  }
0xa: {  	vm11 =	vcmask $0x2F2C;
	[tilespmem:s5], [sflag:$0x1] =	stream.linear.gather [hbm4b:s7+s4], $0x40, $0x38;
	v3 =	vsel vm6, $0x201, v3;
	v4 =	vsel vm6, $0x205, v4;
	[tilespmem:$0x940] =	vst v63  }
0xb: {  	s8 =	simm.s32 $0x140;
	s31 =	simm.s32 $0x1;
	vm12 =	vcmask $0x3330;
	s6 =	sadd.s32 s6, s2;
	v3 =	vsel vm7, $0x301, v3;
	v4 =	vsel vm7, $0x305, v4  }
0xc: {  	vm13 =	vcmask $0x3734;
	[tilespmem:s8], [sflag:$0x1] =	stream.strided.gather [hbm4b:s6+s5], $0x200, s30, s5, $0x38;
	v3 =	vsel vm8, $0x2, v3;
	v4 =	vsel vm8, $0x6, v4;
	[tilespmem:$0x940] =	vst v63  }
0xd: {  	vm14 =	vcmask $0x3B38;
	_ =	swait.ge [sflag:s31], $0x100;
	v3 =	vsel vm9, $0x102, v3;
	v4 =	vsel vm9, $0x106, v4  }
0xe: {  	v0 =	vsel vm0, $0x3, v0;
	[sflag:s31] =	ssyncset.done $0x0;
	v3 =	vsel vm10, $0x202, v3;
	v4 =	vsel vm10, $0x206, v4  }
0xf: {  	v1 =	vshrl.u32 v2, $0x2;
	[sflag:s31] =	ssyncadd.s32 $0xFFFFFF00;
	v3 =	vsel vm11, $0x302, v3;
	v4 =	vsel vm11, $0x306, v4  }
0x10: {  	v2 =	vand.u32 $0x3, v2;
	_ =	swait.ge [sflag:s31], $0x40;
	v3 =	vsel vm12, $0x3, v3;
	v4 =	vsel vm12, $0x7, v4  }
0x11: {  	s3 =	sadd.s32 $0x800, s3;
	v2 =	vmul.u32 $0x10, v2;
	[sflag:s31] =	ssyncset.done $0x0;
	v3 =	vsel vm13, $0x103, v3;
	v5 =	vsel vm13, $0x107, v4  }
0x12: {  	s7 =	simm.s32 $0x0;
	s6 =	simm.s32 $0x340;
	[sflag:s31] =	ssyncadd.s32 $0xFFFFFFC0;
	v4 =	vor.u32 $0x4, v1;
	v3 =	vsel vm14, $0x203, v3;
	v5 =	vsel vm14, $0x207, v5  }
.LBB2_1:
0x13: {  	v6 =	vmov s7  }
0x14: {  	v6 =	vshrl.u32 v6, $0x3  }
0x15: {  	v6 =	vshll.u32 v6, v0  }
0x16: {  	v6 =	vbroadcast v6, $0x0;
	_ =	sdelay $0x1  }
0x17: {  	v7 =	vor.u32 v1, v6;
	_ =	sdelay $0x4  }
0x18: {  	v7 =	vld.idx.msk [tilespmem:v7+s4+$0x0], $0xffff;
	_ =	sdelay $0x4  }
0x19: {  	v7 =	vadd.s32 v2, v7;
	_ =	sdelay $0x4  }
0x1a: {  	v8 =	vor.u32 v3, v6;
	v7 =	vld.idx.msk [tilespmem:v7+s5+$0x0], $0xffff  }
0x1b: {  	v9 =	vor.u32 v4, v6;
	_ =	sdelay $0x3  }
0x1c: {  	[tilespmem:v8+s6+$0x0] =	vst.idx.msk $0xffff, v7  }
0x1d: {  	v7 =	vld.idx.msk [tilespmem:v9+s4+$0x0], $0xffff;
	_ =	sdelay $0x4  }
0x1e: {  	s8 =	sadd.s32 $0x8, s7;
	v7 =	vadd.s32 v2, v7  }
0x1f: {  	v55 =	vmov s8  }
0x20: {  	v8 =	vshrl.u32 v55, $0x3  }
0x21: {  	v8 =	vshll.u32 v8, v0  }
0x22: {  	v8 =	vbroadcast v8, $0x0  }
0x23: {  	v6 =	vadd.s32 v5, v6;
	v7 =	vld.idx.msk [tilespmem:v7+s5+$0x0], $0xffff  }
0x24: {  	v56 =	vor.u32 v1, v8;
	_ =	sdelay $0x3  }
0x25: {  	[tilespmem:v6+s6+$0x0] =	vst.idx.msk $0xffff, v7  }
0x26: {  	v6 =	vld.idx.msk [tilespmem:v56+s4+$0x0], $0xffff;
	_ =	sdelay $0x4  }
0x27: {  	s26 =	sadd.s32 $0xC, s7;
	v6 =	vadd.s32 v2, v6  }
0x28: {  	v7 =	vmov s26  }
0x29: {  	v7 =	vshrl.u32 v7, $0x3  }
0x2a: {  	v7 =	vshll.u32 v7, v0  }
0x2b: {  	v7 =	vbroadcast v7, $0x0  }
0x2c: {  	v8 =	vadd.s32 v3, v8;
	v6 =	vld.idx.msk [tilespmem:v6+s5+$0x0], $0xffff  }
0x2d: {  	v57 =	vor.u32 v4, v7;
	_ =	sdelay $0x3  }
0x2e: {  	[tilespmem:v8+s6+$0x0] =	vst.idx.msk $0xffff, v6  }
0x2f: {  	v6 =	vld.idx.msk [tilespmem:v57+s4+$0x0], $0xffff;
	_ =	sdelay $0x4  }
0x30: {  	s28 =	sadd.s32 $0x10, s7;
	v6 =	vadd.s32 v2, v6  }
0x31: {  	v58 =	vmov s28  }
0x32: {  	v8 =	vshrl.u32 v58, $0x3  }
0x33: {  	v8 =	vshll.u32 v8, v0  }
0x34: {  	v8 =	vbroadcast v8, $0x0  }
0x35: {  	v7 =	vadd.s32 v5, v7;
	v6 =	vld.idx.msk [tilespmem:v6+s5+$0x0], $0xffff  }
0x36: {  	v59 =	vor.u32 v1, v8;
	_ =	sdelay $0x3  }
0x37: {  	[tilespmem:v7+s6+$0x0] =	vst.idx.msk $0xffff, v6  }
0x38: {  	v6 =	vld.idx.msk [tilespmem:v59+s4+$0x0], $0xffff;
	_ =	sdelay $0x4  }
0x39: {  	s29 =	sadd.s32 $0x14, s7;
	v6 =	vadd.s32 v2, v6  }
0x3a: {  	v7 =	vmov s29  }
0x3b: {  	v7 =	vshrl.u32 v7, $0x3  }
0x3c: {  	v7 =	vshll.u32 v7, v0  }
0x3d: {  	v7 =	vbroadcast v7, $0x0  }
0x3e: {  	v8 =	vadd.s32 v3, v8;
	v6 =	vld.idx.msk [tilespmem:v6+s5+$0x0], $0xffff  }
0x3f: {  	v60 =	vor.u32 v4, v7;
	_ =	sdelay $0x3  }
0x40: {  	[tilespmem:v8+s6+$0x0] =	vst.idx.msk $0xffff, v6  }
0x41: {  	v6 =	vld.idx.msk [tilespmem:v60+s4+$0x0], $0xffff;
	_ =	sdelay $0x4  }
0x42: {  	s30 =	sadd.s32 $0x18, s7;
	v6 =	vadd.s32 v2, v6  }
0x43: {  	v61 =	vmov s30  }
0x44: {  	v8 =	vshrl.u32 v61, $0x3  }
0x45: {  	v8 =	vshll.u32 v8, v0  }
0x46: {  	v8 =	vbroadcast v8, $0x0  }
0x47: {  	v7 =	vadd.s32 v5, v7;
	v6 =	vld.idx.msk [tilespmem:v6+s5+$0x0], $0xffff  }
0x48: {  	v62 =	vor.u32 v1, v8;
	_ =	sdelay $0x3  }
0x49: {  	[tilespmem:v7+s6+$0x0] =	vst.idx.msk $0xffff, v6  }
0x4a: {  	v6 =	vld.idx.msk [tilespmem:v62+s4+$0x0], $0xffff;
	_ =	sdelay $0x4  }
0x4b: {  	s31 =	sadd.s32 $0x1C, s7;
	v6 =	vadd.s32 v2, v6  }
0x4c: {  	v7 =	vmov s31  }
0x4d: {  	v7 =	vshrl.u32 v7, $0x3  }
0x4e: {  	v7 =	vshll.u32 v7, v0  }
0x4f: {  	v7 =	vbroadcast v7, $0x0  }
0x50: {  	v8 =	vadd.s32 v3, v8;
	v6 =	vld.idx.msk [tilespmem:v6+s5+$0x0], $0xffff  }
0x51: {  	v63 =	vor.u32 v4, v7;
	_ =	sdelay $0x3  }
0x52: {  	[tilespmem:v8+s6+$0x0] =	vst.idx.msk $0xffff, v6  }
0x53: {  	v6 =	vld.idx.msk [tilespmem:v63+s4+$0x0], $0xffff;
	_ =	sdelay $0x4  }
0x54: {  	v6 =	vadd.s32 v2, v6;
	_ =	sdelay $0x4  }
0x55: {  	p0 =	sne.s32 s7, $0xE0;
	v7 =	vadd.s32 v5, v7;
	v6 =	vld.idx.msk [tilespmem:v6+s5+$0x0], $0xffff  }
.Ltmp0:
0x56: {  	_ = 	snop;
	(pc) =	sbr.rel @p0 .LBB2_1-.Ltmp0, $2  }
0x57: {  	_ =	sdelay $0x2  }
0x58: {  	s7 =	sadd.s32 $0x20, s7;
	[tilespmem:v7+s6+$0x0] =	vst.idx.msk $0xffff, v6  }
0x59: {  	v0 =	vimm.s32 $0x107  }
0x5a: {  	v0 =	vsel vm0, $0x0, v0  }
0x5b: {  	v0 =	vsel vm1, $0x100, v0  }
0x5c: {  	v0 =	vsel vm2, $0x1, v0  }
0x5d: {  	v0 =	vsel vm3, $0x101, v0  }
0x5e: {  	v1 =	vimm.s32 $0x507;
	v0 =	vsel vm4, $0x2, v0  }
0x5f: {  	v1 =	vsel vm0, $0x400, v1;
	v0 =	vsel vm5, $0x102, v0  }
0x60: {  	v1 =	vsel vm1, $0x500, v1;
	v0 =	vsel vm6, $0x3, v0  }
0x61: {  	v1 =	vsel vm2, $0x401, v1;
	v0 =	vsel vm7, $0x103, v0  }
0x62: {  	v2 =	vimm.s32 $0x0;
	v1 =	vsel vm3, $0x501, v1;
	v3 =	vsel vm8, $0x4, v0  }
0x63: {  	s4 =	simm.s32 $0x0;
	v1 =	vsel vm4, $0x402, v1;
	v0 =	vsel vm0, $0x3, v2;
	v2 =	vsel vm9, $0x104, v3  }
0x64: {  	v1 =	vsel vm5, $0x502, v1;
	v3 =	vmov s4;
	v2 =	vsel vm10, $0x5, v2  }
0x65: {  	v1 =	vsel vm6, $0x403, v1;
	v3 =	vshrl.u32 v3, $0x3;
	v2 =	vsel vm11, $0x105, v2  }
0x66: {  	v1 =	vsel vm7, $0x503, v1;
	v3 =	vshll.u32 v3, v0;
	v2 =	vsel vm12, $0x6, v2  }
0x67: {  	v4 =	vsel vm8, $0x404, v1;
	v3 =	vbroadcast v3, $0x0;
	v2 =	vsel vm13, $0x106, v2  }
0x68: {  	v1 =	vsel vm14, $0x7, v2;
	v2 =	vsel vm9, $0x504, v4  }
0x69: {  	s25 =	simm.s32 $0x8;
	v2 =	vsel vm10, $0x405, v2;
	v4 =	vor.u32 v1, v3  }
0x6a: {  	s5 =	simm.s32 $0x1;
	v5 =	vmov s25;
	v2 =	vsel vm11, $0x505, v2  }
0x6b: {  	_ =	swait.ge [sflag:s5], $0x200;
	v5 =	vshrl.u32 v5, $0x3;
	v2 =	vsel vm12, $0x406, v2  }
0x6c: {  	[sflag:s5] =	ssyncset.done $0x0;
	v5 =	vshll.u32 v5, v0;
	v2 =	vsel vm13, $0x506, v2  }
0x6d: {  	[sflag:s5] =	ssyncadd.s32 $0xFFFFFE00;
	s4 =	simm.s32 $0x140;
	v5 =	vbroadcast v5, $0x0;
	v2 =	vsel vm14, $0x407, v2  }
0x6e: {  	v4 =	vld.idx.msk [tilespmem:v4+s4+$0x0], $0xffff;
	v3 =	vor.u32 v2, v3  }
0x6f: {  	s26 =	simm.s32 $0x10;
	v6 =	vadd.s32 v1, v5  }
0x70: {  	v7 =	vmov s26  }
0x71: {  	v7 =	vshrl.u32 v7, $0x3  }
0x72: {  	s5 =	simm.s32 $0x340;
	v7 =	vshll.u32 v7, v0  }
0x73: {  	[tilespmem:v3+s5+$0x0] =	vst.idx.msk $0xffff, v4;
	v3 =	vbroadcast v7, $0x0  }
0x74: {  	v5 =	vadd.s32 v2, v5;
	v4 =	vld.idx.msk [tilespmem:v6+s4+$0x0], $0xffff  }
0x75: {  	s6 =	simm.s32 $0x18;
	v6 =	vadd.s32 v1, v3  }
0x76: {  	v7 =	vmov s6  }
0x77: {  	v7 =	vshrl.u32 v7, $0x3  }
0x78: {  	v7 =	vshll.u32 v7, v0  }
0x79: {  	[tilespmem:v5+s5+$0x0] =	vst.idx.msk $0xffff, v4;
	v4 =	vbroadcast v7, $0x0  }
0x7a: {  	v3 =	vadd.s32 v2, v3;
	v5 =	vld.idx.msk [tilespmem:v6+s4+$0x0], $0xffff  }
0x7b: {  	s28 =	simm.s32 $0x20;
	v6 =	vadd.s32 v1, v4  }
0x7c: {  	v7 =	vmov s28  }
0x7d: {  	v7 =	vshrl.u32 v7, $0x3  }
0x7e: {  	v7 =	vshll.u32 v7, v0  }
0x7f: {  	[tilespmem:v3+s5+$0x0] =	vst.idx.msk $0xffff, v5;
	v3 =	vbroadcast v7, $0x0  }
0x80: {  	v4 =	vadd.s32 v2, v4;
	v5 =	vld.idx.msk [tilespmem:v6+s4+$0x0], $0xffff  }
0x81: {  	s29 =	simm.s32 $0x28;
	v6 =	vadd.s32 v1, v3  }
0x82: {  	v7 =	vmov s29  }
0x83: {  	v7 =	vshrl.u32 v7, $0x3  }
0x84: {  	v7 =	vshll.u32 v7, v0  }
0x85: {  	[tilespmem:v4+s5+$0x0] =	vst.idx.msk $0xffff, v5;
	v4 =	vbroadcast v7, $0x0  }
0x86: {  	v3 =	vadd.s32 v2, v3;
	v5 =	vld.idx.msk [tilespmem:v6+s4+$0x0], $0xffff  }
0x87: {  	s30 =	simm.s32 $0x30;
	v6 =	vadd.s32 v1, v4  }
0x88: {  	v7 =	vmov s30  }
0x89: {  	v7 =	vshrl.u32 v7, $0x3  }
0x8a: {  	v7 =	vshll.u32 v7, v0  }
0x8b: {  	[tilespmem:v3+s5+$0x0] =	vst.idx.msk $0xffff, v5;
	v5 =	vbroadcast v7, $0x0  }
0x8c: {  	v4 =	vadd.s32 v2, v4;
	v6 =	vld.idx.msk [tilespmem:v6+s4+$0x0], $0xffff  }
0x8d: {  	s31 =	simm.s32 $0x38;
	v7 =	vadd.s32 v1, v5  }
0x8e: {  	v3 =	vmov s31  }
0x8f: {  	v3 =	vshrl.u32 v3, $0x3  }
0x90: {  	v3 =	vshll.u32 v3, v0  }
0x91: {  	v3 =	vbroadcast v3, $0x0;
	[tilespmem:v4+s5+$0x0] =	vst.idx.msk $0xffff, v6  }
0x92: {  	v6 =	vadd.s32 v2, v5;
	v4 =	vld.idx.msk [tilespmem:v7+s4+$0x0], $0xffff  }
0x93: {  	v5 =	vadd.s32 v1, v3  }
0x94: {  	s8 =	simm.s32 $0x40;
	s7 =	simm.s32 $0xB8;
	s6 =	simm.s32 $0x78  }
.LBB2_3:
0x95: {  	p0 =	sne.s32 s7, $0xF8;
	v7 =	vmov s8  }
0x96: {  	v7 =	vshrl.u32 v7, $0x3  }
0x97: {  	v7 =	vshll.u32 v7, v0;
	[tilespmem:v6+s5+$0x0] =	vst.idx.msk $0xffff, v4  }
0x98: {  	v4 =	vbroadcast v7, $0x0;
	v5 =	vld.idx.msk [tilespmem:v5+s4+$0x0], $0xffff  }
0x99: {  	v3 =	vadd.s32 v2, v3  }
0x9a: {  	v6 =	vor.u32 v1, v4  }
0x9b: {  	s8 =	sadd.s32 $0xFFFFFFD0, s6  }
0x9c: {  	v7 =	vmov s8  }
0x9d: {  	v7 =	vshrl.u32 v7, $0x3  }
0x9e: {  	v7 =	vshll.u32 v7, v0;
	[tilespmem:v3+s5+$0x0] =	vst.idx.msk $0xffff, v5  }
0x9f: {  	v5 =	vbroadcast v7, $0x0;
	v3 =	vld.idx.msk [tilespmem:v6+s4+$0x0], $0xffff  }
0xa0: {  	v4 =	vor.u32 v2, v4  }
0xa1: {  	v6 =	vadd.s32 v1, v5  }
0xa2: {  	s8 =	sadd.s32 $0xFFFFFFD8, s6  }
0xa3: {  	v7 =	vmov s8  }
0xa4: {  	v7 =	vshrl.u32 v7, $0x3  }
0xa5: {  	[tilespmem:v4+s5+$0x0] =	vst.idx.msk $0xffff, v3;
	v3 =	vshll.u32 v7, v0  }
0xa6: {  	v4 =	vld.idx.msk [tilespmem:v6+s4+$0x0], $0xffff;
	v3 =	vbroadcast v3, $0x0  }
0xa7: {  	v5 =	vadd.s32 v2, v5  }
0xa8: {  	v6 =	vadd.s32 v1, v3  }
0xa9: {  	s8 =	sadd.s32 $0xFFFFFFE0, s6  }
0xaa: {  	v7 =	vmov s8  }
0xab: {  	v7 =	vshrl.u32 v7, $0x3  }
0xac: {  	[tilespmem:v5+s5+$0x0] =	vst.idx.msk $0xffff, v4;
	v4 =	vshll.u32 v7, v0  }
0xad: {  	v5 =	vld.idx.msk [tilespmem:v6+s4+$0x0], $0xffff;
	v4 =	vbroadcast v4, $0x0  }
0xae: {  	v3 =	vadd.s32 v2, v3  }
0xaf: {  	v6 =	vadd.s32 v1, v4  }
0xb0: {  	s8 =	sadd.s32 $0xFFFFFFE8, s6  }
0xb1: {  	v7 =	vmov s8  }
0xb2: {  	v7 =	vshrl.u32 v7, $0x3  }
0xb3: {  	[tilespmem:v3+s5+$0x0] =	vst.idx.msk $0xffff, v5;
	v3 =	vshll.u32 v7, v0  }
0xb4: {  	v5 =	vld.idx.msk [tilespmem:v6+s4+$0x0], $0xffff;
	v3 =	vbroadcast v3, $0x0  }
0xb5: {  	v4 =	vadd.s32 v2, v4  }
0xb6: {  	v6 =	vadd.s32 v1, v3  }
0xb7: {  	s8 =	sadd.s32 $0xFFFFFFF0, s6  }
0xb8: {  	v7 =	vmov s8  }
0xb9: {  	v7 =	vshrl.u32 v7, $0x3  }
0xba: {  	[tilespmem:v4+s5+$0x0] =	vst.idx.msk $0xffff, v5;
	v4 =	vshll.u32 v7, v0  }
0xbb: {  	v5 =	vld.idx.msk [tilespmem:v6+s4+$0x0], $0xffff;
	v4 =	vbroadcast v4, $0x0  }
0xbc: {  	v3 =	vadd.s32 v2, v3  }
0xbd: {  	v6 =	vadd.s32 v1, v4  }
0xbe: {  	s8 =	sadd.s32 $0xFFFFFFF8, s6  }
0xbf: {  	v7 =	vmov s8  }
0xc0: {  	v7 =	vshrl.u32 v7, $0x3  }
0xc1: {  	[tilespmem:v3+s5+$0x0] =	vst.idx.msk $0xffff, v5;
	v3 =	vshll.u32 v7, v0  }
0xc2: {  	v5 =	vld.idx.msk [tilespmem:v6+s4+$0x0], $0xffff;
	v6 =	vbroadcast v3, $0x0  }
0xc3: {  	v3 =	vadd.s32 v2, v4  }
0xc4: {  	v4 =	vadd.s32 v1, v6;
	_ =	sdelay $0x1  }
0xc5: {  	v7 =	vmov s6;
	s6 =	smov.u32 s7  }
0xc6: {  	v7 =	vshrl.u32 v7, $0x3  }
.Ltmp1:
0xc7: {  	[tilespmem:v3+s5+$0x0] =	vst.idx.msk $0xffff, v5;
	v3 =	vshll.u32 v7, v0;
	(pc) =	sbr.rel @p0 .LBB2_3-.Ltmp1, $4  }
0xc8: {  	v4 =	vld.idx.msk [tilespmem:v4+s4+$0x0], $0xffff;
	v3 =	vbroadcast v3, $0x0  }
0xc9: {  	v6 =	vadd.s32 v2, v6  }
0xca: {  	v5 =	vadd.s32 v1, v3  }
0xcb: {  	s7 =	sadd.s32 $0x40, s7;
	s8 =	sadd.s32 $0xFFFFFFC8, s6  }
0xcc: {  	_ = 	snop  }
0xcd: {  	v7 =	vmov s8  }
0xce: {  	v7 =	vshrl.u32 v7, $0x3  }
0xcf: {  	v7 =	vshll.u32 v7, v0  }
0xd0: {  	[tilespmem:v6+s5+$0x0] =	vst.idx.msk $0xffff, v4;
	v41 =	vbroadcast v7, $0x0  }
0xd1: {  	v3 =	vadd.s32 v2, v3;
	v5 =	vld.idx.msk [tilespmem:v5+s4+$0x0], $0xffff  }
0xd2: {  	s7 =	sadd.s32 $0xFFFFFFD0, s6;
	v42 =	vor.u32 v1, v41  }
0xd3: {  	v43 =	vmov s7  }
0xd4: {  	v7 =	vshrl.u32 v43, $0x3  }
0xd5: {  	v7 =	vshll.u32 v7, v0  }
0xd6: {  	v44 =	vbroadcast v7, $0x0;
	[tilespmem:v3+s5+$0x0] =	vst.idx.msk $0xffff, v5  }
0xd7: {  	v4 =	vor.u32 v2, v41;
	v5 =	vld.idx.msk [tilespmem:v42+s4+$0x0], $0xffff  }
0xd8: {  	s22 =	sadd.s32 $0xFFFFFFD8, s6;
	v45 =	vadd.s32 v1, v44  }
0xd9: {  	v46 =	vmov s22  }
0xda: {  	v7 =	vshrl.u32 v46, $0x3  }
0xdb: {  	v7 =	vshll.u32 v7, v0  }
0xdc: {  	v47 =	vbroadcast v7, $0x0;
	[tilespmem:v4+s5+$0x0] =	vst.idx.msk $0xffff, v5  }
0xdd: {  	v3 =	vadd.s32 v2, v44;
	v5 =	vld.idx.msk [tilespmem:v45+s4+$0x0], $0xffff  }
0xde: {  	s23 =	sadd.s32 $0xFFFFFFE0, s6;
	v48 =	vadd.s32 v1, v47  }
0xdf: {  	v49 =	vmov s23  }
0xe0: {  	v7 =	vshrl.u32 v49, $0x3  }
0xe1: {  	v7 =	vshll.u32 v7, v0  }
0xe2: {  	v50 =	vbroadcast v7, $0x0;
	[tilespmem:v3+s5+$0x0] =	vst.idx.msk $0xffff, v5  }
0xe3: {  	v4 =	vadd.s32 v2, v47;
	v5 =	vld.idx.msk [tilespmem:v48+s4+$0x0], $0xffff  }
0xe4: {  	s24 =	sadd.s32 $0xFFFFFFE8, s6;
	v51 =	vadd.s32 v1, v50  }
0xe5: {  	v52 =	vmov s24  }
0xe6: {  	v7 =	vshrl.u32 v52, $0x3  }
0xe7: {  	v7 =	vshll.u32 v7, v0  }
0xe8: {  	v53 =	vbroadcast v7, $0x0;
	[tilespmem:v4+s5+$0x0] =	vst.idx.msk $0xffff, v5  }
0xe9: {  	v3 =	vadd.s32 v2, v50;
	v5 =	vld.idx.msk [tilespmem:v51+s4+$0x0], $0xffff  }
0xea: {  	s25 =	sadd.s32 $0xFFFFFFF0, s6;
	v54 =	vadd.s32 v1, v53  }
0xeb: {  	v55 =	vmov s25  }
0xec: {  	v7 =	vshrl.u32 v55, $0x3  }
0xed: {  	v7 =	vshll.u32 v7, v0  }
0xee: {  	v56 =	vbroadcast v7, $0x0;
	[tilespmem:v3+s5+$0x0] =	vst.idx.msk $0xffff, v5  }
0xef: {  	v4 =	vadd.s32 v2, v53;
	v5 =	vld.idx.msk [tilespmem:v54+s4+$0x0], $0xffff  }
0xf0: {  	s26 =	sadd.s32 $0xFFFFFFF8, s6;
	v57 =	vadd.s32 v1, v56  }
0xf1: {  	v58 =	vmov s26  }
0xf2: {  	v7 =	vshrl.u32 v58, $0x3  }
0xf3: {  	v7 =	vshll.u32 v7, v0  }
0xf4: {  	v59 =	vbroadcast v7, $0x0;
	[tilespmem:v4+s5+$0x0] =	vst.idx.msk $0xffff, v5  }
0xf5: {  	v3 =	vadd.s32 v2, v56;
	v5 =	vld.idx.msk [tilespmem:v57+s4+$0x0], $0xffff  }
0xf6: {  	v60 =	vadd.s32 v1, v59  }
0xf7: {  	v61 =	vmov s6  }
0xf8: {  	v7 =	vshrl.u32 v61, $0x3  }
0xf9: {  	v62 =	vshll.u32 v7, v0  }
0xfa: {  	v0 =	vbroadcast v62, $0x0;
	[tilespmem:v3+s5+$0x0] =	vst.idx.msk $0xffff, v5  }
0xfb: {  	v4 =	vadd.s32 v2, v59;
	v3 =	vld.idx.msk [tilespmem:v60+s4+$0x0], $0xffff  }
0xfc: {  	v63 =	vadd.s32 v1, v0;
	_ =	sdelay $0x3  }
0xfd: {  	[tilespmem:v4+s5+$0x0] =	vst.idx.msk $0xffff, v3  }
0xfe: {  	v0 =	vadd.s32 v2, v0;
	v1 =	vld.idx.msk [tilespmem:v63+s4+$0x0], $0xffff;
	_ =	sdelay $0x3  }
0xff: {  	s2 =	sadd.s32 s3, s2;
	s28 =	simm.s32 $0x100  }
0x100: {  	s29 =	simm.s32 $0x1000;
	s30 =	simm.s32 $0x340;
	s31 =	simm.s32 $0x2;
	[tilespmem:v0+s5+$0x0] =	vst.idx.msk $0xffff, v1  }
0x101: {  	[hbm4b:s2+s28] =	stream.strided.scatter [tilespmem:s30], [sflag:$0x2], $0x600, s29, s28, $0x38;
	[tilespmem:$0x940] =	vst v63  }
0x102: {  	_ =	swait.ge [sflag:s31], $0x600  }
0x103: {  	[sflag:s31] =	ssyncset.done $0x0  }
0x104: {  	[sflag:s31] =	ssyncadd.s32 $0xFFFFFA00  }
0x105: {  	_ =	sfence.sel $0x180000  }
0x106: {  	[bflag:$0x0] =	sbarrier.arrive $0xFFFF  }
0x107: {  	p0 =	sne.s32 s1, $0x0;
	_ =	strace $0x90000047  }
0x108: {  	s0 =	sadd.s32 @!p0 $0x100000, s0;
	[bflag:$0x2] =	sbarrier.arrive $0xFFFF  }
0x109: {  	[sflag:s0] =	ssyncadd.tile.s32 @!p0 $0x1;
	_ =	shalt  }
.Lfunc_end2:
_tile_overlayer_lowered:
.L_overlay_start_2:
0x10a: {  	(tag) =	ssettag $0x2  }
0x10b: {  	s0 =	rddreg [dreg:$0x0];
	s2 =	stileid.u32  }
0x10c: {  	s1 =	rddreg [dreg:$0x1];
	p0 =	sne.s32 s2, $0x0  }
0x10d: {  	s3 =	rddreg [dreg:$0x2];
	[bflag:$0x3] =	sbarrier.arrive $0xFFFF;
	s2 =	simm.s32 @!p0 $0x1C02  }
0x10e: {  	[timem:s3], [sflag:s2] =	dma.local @!p0 [hbm:s0], s1  }
0x10f: {  	s0 =	simm.s32 @!p0 $0x2  }
0x110: {  	_ =	swait.ge @!p0 [sflag:s0], s1  }
0x111: {  	s1 =	ssub.s32 @!p0 $0x0, s1;
	[sflag:s0] =	ssyncset.done @!p0 $0x0  }
0x112: {  	[sflag:s0] =	ssyncadd.s32 @!p0 s1  }
0x113: {  	[bflag:$0x3] =	sbarrier.arrive $0xFFFF  }
0x114: {  	_ =	shalt  }

</sc_bundles>
